<compile_context>
chip_gen: v7x
topology: tpu7x:2x2x1
jax: 0.10.2.dev20260603
libtpu: 0.0.44.dev20260713+nightly
codegen_flags: <defaults>
</compile_context>

<pallas_src>
import functools

import jax
import jax.numpy as jnp
from jax import lax
from jax.experimental import pallas as pl
from jax.experimental.pallas import tpu as pltpu
from jax.experimental.pallas import tpu_sc as plsc

_D = 14
_CH = 4096
_UNROLL = 8


def _make_gather(L: int, B: int, vocab: int):
    half_b = B // 2
    nsub = half_b // _CH
    n_tiles = L * nsub
    n_pairs = n_tiles // 2
    mesh = plsc.VectorSubcoreMesh(core_axis_name="c", subcore_axis_name="s")

    @functools.partial(
        pl.kernel,
        out_type=jax.ShapeDtypeStruct((_D, L, B), jnp.float32),
        mesh=mesh,
        scratch_types=[
            pltpu.VMEM((vocab,), jnp.float32),
            pltpu.VMEM((_CH,), jnp.int32),
            pltpu.VMEM((_CH,), jnp.int32),
            pltpu.VMEM((_CH,), jnp.float32),
            pltpu.VMEM((_CH,), jnp.float32),
            pltpu.SemaphoreType.DMA,
            pltpu.SemaphoreType.DMA,
            pltpu.SemaphoreType.DMA,
            pltpu.SemaphoreType.DMA,
        ],
        compiler_params=pltpu.CompilerParams(
            use_tc_tiling_on_sc=False, needs_layout_passes=False
        ),
    )
    def gather_kernel(table_t_hbm, idxT_hbm, out_hbm, tab_v,
                      idx_v0, idx_v1, out_v0, out_v1,
                      isem0, isem1, osem0, osem1):
        wid = lax.axis_index("s") * 2 + lax.axis_index("c")
        d = wid // 2
        half = wid % 2

        def idx_src(t):
            l = t // nsub
            b0 = pl.multiple_of(half * half_b + (t % nsub) * _CH, _CH)
            return idxT_hbm.at[l, pl.ds(b0, _CH)]

        def out_dst(t):
            l = t // nsub
            b0 = pl.multiple_of(half * half_b + (t % nsub) * _CH, _CH)
            return out_hbm.at[d, l, pl.ds(b0, _CH)]

        def compute(idx_v, out_v):
            @plsc.parallel_loop(0, _CH, 16, unroll=_UNROLL)
            def _(g):
                o = pl.multiple_of(g, 16)
                idx16 = idx_v[pl.ds(o, 16)]
                out_v[pl.ds(o, 16)] = plsc.load_gather(tab_v, [idx16])

        @pl.when(d < _D)
        def _():
            pltpu.sync_copy(table_t_hbm.at[d], tab_v)
            pltpu.async_copy(idx_src(0), idx_v0, isem0)
            pltpu.async_copy(idx_src(1), idx_v1, isem1)

            def pair(p, carry):
                t0 = p * 2
                t1 = t0 + 1
                pltpu.make_async_copy(idx_src(t0), idx_v0, isem0).wait()

                @pl.when(p > 0)
                def _():
                    pltpu.make_async_copy(out_v0, out_dst(t0), osem0).wait()

                compute(idx_v0, out_v0)
                pltpu.async_copy(out_v0, out_dst(t0), osem0)

                @pl.when(p + 1 < n_pairs)
                def _():
                    pltpu.async_copy(idx_src(t0 + 2), idx_v0, isem0)

                pltpu.make_async_copy(idx_src(t1), idx_v1, isem1).wait()

                @pl.when(p > 0)
                def _():
                    pltpu.make_async_copy(out_v1, out_dst(t1), osem1).wait()

                compute(idx_v1, out_v1)
                pltpu.async_copy(out_v1, out_dst(t1), osem1)

                @pl.when(p + 1 < n_pairs)
                def _():
                    pltpu.async_copy(idx_src(t1 + 2), idx_v1, isem1)

                return carry

            lax.fori_loop(0, n_pairs, pair, 0)
            pltpu.make_async_copy(out_v0, out_dst(n_tiles - 2), osem0).wait()
            pltpu.make_async_copy(out_v1, out_dst(n_tiles - 1), osem1).wait()

    return gather_kernel


def kernel(input, hidden, char_embed):
    B, L = input.shape[1], input.shape[2]
    table_t = char_embed.T
    idxT = input[0].T
    out_t = _make_gather(L, B, char_embed.shape[0])(table_t, idxT)
    return jnp.transpose(out_t, (2, 1, 0))

# --- scband reference (transcript-rebuilt; emitter-appended) ---
"""Pipeline reference for scband-rnn-lan-class-44951127720152 (READ-ONLY COPY).

The authoritative reference and input builder live on the scoring server;
editing this copy changes nothing except your own understanding.
"""

import jax, jax.numpy as jnp
import numpy as np

VOCAB = 100000
EMBED_DIM = 14
HIDDEN = 512
B = 16384
L = 200

def setup_inputs(seed: int = 0) -> dict:
    key = jax.random.key(seed)
    k1, k2 = jax.random.split(key)
    # 'input' is a stacked tensor [2, B, L]; input[0] = char indices, input[1] = language ids (unused)
    inp = jax.random.randint(k1, (2, B, L), 0, VOCAB, dtype=jnp.int64 if jax.config.jax_enable_x64 else jnp.int32).astype(jnp.int32)
    hidden = jnp.zeros((1, HIDDEN), dtype=jnp.float32)
    char_embed = jax.random.normal(k2, (VOCAB, EMBED_DIM), dtype=jnp.float32)
    return {"input": inp, "hidden": hidden, "char_embed": char_embed}

def reference(input, hidden, char_embed):
    # Faithful to torch forward: only char_embed(input[0]) is computed and returned.
    character = jnp.take(char_embed, input[0], axis=0)
    return character

if __name__ == "__main__":
    import jax
    _d = setup_inputs()
    print(jax.jit(kernel)(*tuple(_d.values())))

</pallas_src>

<mosaic_0001>
#map = affine_map<(d0, d1) -> (0, 0)>
#map1 = affine_map<(d0, d1) -> (0, 0, 0)>
module attributes {stable_mosaic.version = 14 : i64} {
  func.func @gather_kernel(%arg0: i32, %arg1: i32, %arg2: memref<14x100000xf32, #tpu.memory_space<hbm>>, %arg3: memref<200x16384xi32, #tpu.memory_space<hbm>>, %arg4: memref<14x200x16384xf32, #tpu.memory_space<hbm>>, %arg5: memref<100000xf32, #tpu.memory_space<vmem>>, %arg6: memref<4096xi32, #tpu.memory_space<vmem>>, %arg7: memref<4096xi32, #tpu.memory_space<vmem>>, %arg8: memref<4096xf32, #tpu.memory_space<vmem>>, %arg9: memref<4096xf32, #tpu.memory_space<vmem>>, %arg10: memref<!tpu.dma_semaphore, #tpu.memory_space<semaphore_mem>>, %arg11: memref<!tpu.dma_semaphore, #tpu.memory_space<semaphore_mem>>, %arg12: memref<!tpu.dma_semaphore, #tpu.memory_space<semaphore_mem>>, %arg13: memref<!tpu.dma_semaphore, #tpu.memory_space<semaphore_mem>>) attributes {dimension_semantics = [#tpu.dimension_semantics<core_parallel>, #tpu.dimension_semantics<subcore_parallel>], iteration_bounds = array<i64: 2, 16>, scalar_prefetch = 0 : i64, scratch_operands = 9 : i64, tpu.core_type = #tpu.core_type<sc_vector_subcore>, window_params = [{transform_indices = #map}, {transform_indices = #map}, {transform_indices = #map1}]} {
    %mul3A = arith.constant 2 : i32
    %mul3A_0 = arith.muli %arg1, %mul3A : i32
    %add3A = arith.addi %mul3A_0, %arg0 : i32
    %jit3A = arith.constant 2 : i32
    %div3A = arith.divsi %add3A, %jit3A : i32
    %sign3A = arith.constant 0 : i32
    %sign3A_1 = arith.cmpi sgt, %add3A, %sign3A : i32
    %sign3A_2 = arith.extui %sign3A_1 : i1 to i32
    %sign3A_3 = arith.constant 0 : i32
    %sign3A_4 = arith.cmpi slt, %add3A, %sign3A_3 : i32
    %sign3A_5 = arith.extui %sign3A_4 : i1 to i32
    %sign3A_6 = arith.subi %sign3A_2, %sign3A_5 : i32
    %sign3A_7 = arith.constant 0 : i32
    %sign3A_8 = arith.cmpi sgt, %jit3A, %sign3A_7 : i32
    %sign3A_9 = arith.extui %sign3A_8 : i1 to i32
    %sign3A_10 = arith.constant 0 : i32
    %sign3A_11 = arith.cmpi slt, %jit3A, %sign3A_10 : i32
    %sign3A_12 = arith.extui %sign3A_11 : i1 to i32
    %sign3A_13 = arith.subi %sign3A_9, %sign3A_12 : i32
    %ne3A = arith.cmpi ne, %sign3A_6, %sign3A_13 : i32
    %rem3A = arith.remsi %add3A, %jit3A : i32
    %ne3A_14 = arith.constant 0 : i32
    %ne3A_15 = arith.cmpi ne, %rem3A, %ne3A_14 : i32
    %and3A = arith.andi %ne3A, %ne3A_15 : i1
    %sub3A = arith.constant 1 : i32
    %sub3A_16 = arith.subi %div3A, %sub3A : i32
    %select_n3A = arith.select %and3A, %sub3A_16, %div3A : i32
    %jit3A_17 = arith.constant 2 : i32
    %eq3A = arith.constant 0 : i32
    %eq3A_18 = arith.cmpi eq, %jit3A_17, %eq3A : i32
    %jit3A_19 = arith.constant 1 : i32
    %select_n3A_20 = arith.select %eq3A_18, %jit3A_19, %jit3A_17 : i32
    %rem3A_21 = arith.remsi %add3A, %select_n3A_20 : i32
    %ne3A_22 = arith.constant 0 : i32
    %ne3A_23 = arith.cmpi ne, %rem3A_21, %ne3A_22 : i32
    %lt3A = arith.constant 0 : i32
    %lt3A_24 = arith.cmpi slt, %rem3A_21, %lt3A : i32
    %lt3A_25 = arith.constant 0 : i32
    %lt3A_26 = arith.cmpi slt, %select_n3A_20, %lt3A_25 : i32
    %ne3A_27 = arith.xori %lt3A_24, %lt3A_26 : i1
    %and3A_28 = arith.andi %ne3A_27, %ne3A_23 : i1
    %add3A_29 = arith.addi %rem3A_21, %select_n3A_20 : i32
    %select_n3A_30 = arith.select %and3A_28, %add3A_29, %rem3A_21 : i32
    %lt3A_31 = arith.constant 14 : i32
    %lt3A_32 = arith.cmpi slt, %select_n3A, %lt3A_31 : i32
    %convert_element_type3A = arith.extui %lt3A_32 : i1 to i32
    %cond3A = arith.constant 0 : i32
    %cond3A_33 = arith.cmpi ne, %convert_element_type3A, %cond3A : i32
    scf.if %cond3A_33 {
      "tpu.region"() ({
        %run_scoped3A = tpu.sem_alloc : memref<!tpu.dma_semaphore, #tpu.memory_space<semaphore_mem>>
        %dma_start3A_76 = arith.constant 0 : i32
        %dma_start3A_77 = tpu.memref_slice %arg2[%select_n3A, %dma_start3A_76] : memref<14x100000xf32, #tpu.memory_space<hbm>> -> memref<1x100000xf32, #tpu.memory_space<hbm>>
        %dma_start3A_78 = tpu.memref_squeeze %dma_start3A_77 : memref<1x100000xf32, #tpu.memory_space<hbm>> -> memref<100000xf32, #tpu.memory_space<hbm>>
        %dma_start3A_79 = arith.constant 0 : i32
        %dma_start3A_80 = tpu.memref_slice %arg2[%select_n3A, %dma_start3A_79] : memref<14x100000xf32, #tpu.memory_space<hbm>> -> memref<1x100000xf32, #tpu.memory_space<hbm>>
        %dma_start3A_81 = tpu.memref_squeeze %dma_start3A_80 : memref<1x100000xf32, #tpu.memory_space<hbm>> -> memref<100000xf32, #tpu.memory_space<hbm>>
        tpu.enqueue_dma source(%dma_start3A_81 : memref<100000xf32, #tpu.memory_space<hbm>>) target(%arg5 : memref<100000xf32, #tpu.memory_space<vmem>>) target_semaphore(%run_scoped3A : memref<!tpu.dma_semaphore, #tpu.memory_space<semaphore_mem>>)
        %dma_wait3A_82 = arith.constant 0 : i32
        %dma_wait3A_83 = tpu.memref_slice %arg2[%select_n3A, %dma_wait3A_82] : memref<14x100000xf32, #tpu.memory_space<hbm>> -> memref<1x100000xf32, #tpu.memory_space<hbm>>
        %dma_wait3A_84 = tpu.memref_squeeze %dma_wait3A_83 : memref<1x100000xf32, #tpu.memory_space<hbm>> -> memref<100000xf32, #tpu.memory_space<hbm>>
        %dma_wait3A_85 = arith.constant 0 : i32
        %dma_wait3A_86 = tpu.memref_slice %arg2[%select_n3A, %dma_wait3A_85] : memref<14x100000xf32, #tpu.memory_space<hbm>> -> memref<1x100000xf32, #tpu.memory_space<hbm>>
        %dma_wait3A_87 = tpu.memref_squeeze %dma_wait3A_86 : memref<1x100000xf32, #tpu.memory_space<hbm>> -> memref<100000xf32, #tpu.memory_space<hbm>>
        tpu.wait_dma2 semaphore(%run_scoped3A : memref<!tpu.dma_semaphore, #tpu.memory_space<semaphore_mem>>) src(%dma_wait3A_87 : memref<100000xf32, #tpu.memory_space<hbm>>) dst(%arg5 : memref<100000xf32, #tpu.memory_space<vmem>>)
        tpu.yield
      }) : () -> ()
      %mul3A_34 = arith.constant 8192 : i32
      %mul3A_35 = arith.muli %select_n3A_30, %mul3A_34 : i32
      %add3A_36 = arith.constant 0 : i32
      %add3A_37 = arith.addi %mul3A_35, %add3A_36 : i32
      %multiple_of3A = tpu.assume_multiple %add3A_37, 4096 : i32
      %dma_start3A = arith.constant 0 : i32
      %dma_start3A_38 = tpu.memref_slice %arg3[%dma_start3A, %multiple_of3A] : memref<200x16384xi32, #tpu.memory_space<hbm>> -> memref<1x4096xi32, #tpu.memory_space<hbm>>
      %dma_start3A_39 = tpu.memref_squeeze %dma_start3A_38 : memref<1x4096xi32, #tpu.memory_space<hbm>> -> memref<4096xi32, #tpu.memory_space<hbm>>
      %dma_start3A_40 = tpu.memref_slice %arg3[%dma_start3A, %multiple_of3A] : memref<200x16384xi32, #tpu.memory_space<hbm>> -> memref<1x4096xi32, #tpu.memory_space<hbm>>
      %dma_start3A_41 = tpu.memref_squeeze %dma_start3A_40 : memref<1x4096xi32, #tpu.memory_space<hbm>> -> memref<4096xi32, #tpu.memory_space<hbm>>
      tpu.enqueue_dma source(%dma_start3A_41 : memref<4096xi32, #tpu.memory_space<hbm>>) target(%arg6 : memref<4096xi32, #tpu.memory_space<vmem>>) target_semaphore(%arg10 : memref<!tpu.dma_semaphore, #tpu.memory_space<semaphore_mem>>)
      %mul3A_42 = arith.constant 8192 : i32
      %mul3A_43 = arith.muli %select_n3A_30, %mul3A_42 : i32
      %add3A_44 = arith.constant 4096 : i32
      %add3A_45 = arith.addi %mul3A_43, %add3A_44 : i32
      %multiple_of3A_46 = tpu.assume_multiple %add3A_45, 4096 : i32
      %dma_start3A_47 = arith.constant 0 : i32
      %dma_start3A_48 = tpu.memref_slice %arg3[%dma_start3A_47, %multiple_of3A_46] : memref<200x16384xi32, #tpu.memory_space<hbm>> -> memref<1x4096xi32, #tpu.memory_space<hbm>>
      %dma_start3A_49 = tpu.memref_squeeze %dma_start3A_48 : memref<1x4096xi32, #tpu.memory_space<hbm>> -> memref<4096xi32, #tpu.memory_space<hbm>>
      %dma_start3A_50 = tpu.memref_slice %arg3[%dma_start3A_47, %multiple_of3A_46] : memref<200x16384xi32, #tpu.memory_space<hbm>> -> memref<1x4096xi32, #tpu.memory_space<hbm>>
      %dma_start3A_51 = tpu.memref_squeeze %dma_start3A_50 : memref<1x4096xi32, #tpu.memory_space<hbm>> -> memref<4096xi32, #tpu.memory_space<hbm>>
      tpu.enqueue_dma source(%dma_start3A_51 : memref<4096xi32, #tpu.memory_space<hbm>>) target(%arg7 : memref<4096xi32, #tpu.memory_space<vmem>>) target_semaphore(%arg11 : memref<!tpu.dma_semaphore, #tpu.memory_space<semaphore_mem>>)
      %scan3A = arith.constant 0 : i32
      %scan3A_52 = arith.constant 0 : i32
      %scan3A_53 = arith.constant 200 : i32
      %scan3A_54 = arith.addi %scan3A_52, %scan3A_53 : i32
      %scan3A_55 = arith.constant 1 : i32
      scf.for %scan3A_76 = %scan3A_52 to %scan3A_54 step %scan3A_55  : i32 {
        %mul3A_77 = arith.constant 2 : i32
        %mul3A_78 = arith.muli %scan3A_76, %mul3A_77 : i32
        %add3A_79 = arith.constant 1 : i32
        %add3A_80 = arith.addi %mul3A_78, %add3A_79 : i32
        %jit3A_81 = arith.constant 2 : i32
        %div3A_82 = arith.divsi %mul3A_78, %jit3A_81 : i32
        %sign3A_83 = arith.constant 0 : i32
        %sign3A_84 = arith.cmpi sgt, %mul3A_78, %sign3A_83 : i32
        %sign3A_85 = arith.extui %sign3A_84 : i1 to i32
        %sign3A_86 = arith.constant 0 : i32
        %sign3A_87 = arith.cmpi slt, %mul3A_78, %sign3A_86 : i32
        %sign3A_88 = arith.extui %sign3A_87 : i1 to i32
        %sign3A_89 = arith.subi %sign3A_85, %sign3A_88 : i32
        %sign3A_90 = arith.constant 0 : i32
        %sign3A_91 = arith.cmpi sgt, %jit3A_81, %sign3A_90 : i32
        %sign3A_92 = arith.extui %sign3A_91 : i1 to i32
        %sign3A_93 = arith.constant 0 : i32
        %sign3A_94 = arith.cmpi slt, %jit3A_81, %sign3A_93 : i32
        %sign3A_95 = arith.extui %sign3A_94 : i1 to i32
        %sign3A_96 = arith.subi %sign3A_92, %sign3A_95 : i32
        %ne3A_97 = arith.cmpi ne, %sign3A_89, %sign3A_96 : i32
        %rem3A_98 = arith.remsi %mul3A_78, %jit3A_81 : i32
        %ne3A_99 = arith.constant 0 : i32
        %ne3A_100 = arith.cmpi ne, %rem3A_98, %ne3A_99 : i32
        %and3A_101 = arith.andi %ne3A_97, %ne3A_100 : i1
        %sub3A_102 = arith.constant 1 : i32
        %sub3A_103 = arith.subi %div3A_82, %sub3A_102 : i32
        %select_n3A_104 = arith.select %and3A_101, %sub3A_103, %div3A_82 : i32
        %mul3A_105 = arith.constant 8192 : i32
        %mul3A_106 = arith.muli %select_n3A_30, %mul3A_105 : i32
        %jit3A_107 = arith.constant 2 : i32
        %eq3A_108 = arith.constant 0 : i32
        %eq3A_109 = arith.cmpi eq, %jit3A_107, %eq3A_108 : i32
        %jit3A_110 = arith.constant 1 : i32
        %select_n3A_111 = arith.select %eq3A_109, %jit3A_110, %jit3A_107 : i32
        %rem3A_112 = arith.remsi %mul3A_78, %select_n3A_111 : i32
        %ne3A_113 = arith.constant 0 : i32
        %ne3A_114 = arith.cmpi ne, %rem3A_112, %ne3A_113 : i32
        %lt3A_115 = arith.constant 0 : i32
        %lt3A_116 = arith.cmpi slt, %rem3A_112, %lt3A_115 : i32
        %lt3A_117 = arith.constant 0 : i32
        %lt3A_118 = arith.cmpi slt, %select_n3A_111, %lt3A_117 : i32
        %ne3A_119 = arith.xori %lt3A_116, %lt3A_118 : i1
        %and3A_120 = arith.andi %ne3A_119, %ne3A_114 : i1
        %add3A_121 = arith.addi %rem3A_112, %select_n3A_111 : i32
        %select_n3A_122 = arith.select %and3A_120, %add3A_121, %rem3A_112 : i32
        %mul3A_123 = arith.constant 4096 : i32
        %mul3A_124 = arith.muli %select_n3A_122, %mul3A_123 : i32
        %add3A_125 = arith.addi %mul3A_106, %mul3A_124 : i32
        %multiple_of3A_126 = tpu.assume_multiple %add3A_125, 4096 : i32
        %dma_wait3A_127 = tpu.memref_slice %arg3[%select_n3A_104, %multiple_of3A_126] : memref<200x16384xi32, #tpu.memory_space<hbm>> -> memref<1x4096xi32, #tpu.memory_space<hbm>>
        %dma_wait3A_128 = tpu.memref_squeeze %dma_wait3A_127 : memref<1x4096xi32, #tpu.memory_space<hbm>> -> memref<4096xi32, #tpu.memory_space<hbm>>
        %dma_wait3A_129 = tpu.memref_slice %arg3[%select_n3A_104, %multiple_of3A_126] : memref<200x16384xi32, #tpu.memory_space<hbm>> -> memref<1x4096xi32, #tpu.memory_space<hbm>>
        %dma_wait3A_130 = tpu.memref_squeeze %dma_wait3A_129 : memref<1x4096xi32, #tpu.memory_space<hbm>> -> memref<4096xi32, #tpu.memory_space<hbm>>
        tpu.wait_dma2 semaphore(%arg10 : memref<!tpu.dma_semaphore, #tpu.memory_space<semaphore_mem>>) src(%dma_wait3A_130 : memref<4096xi32, #tpu.memory_space<hbm>>) dst(%arg6 : memref<4096xi32, #tpu.memory_space<vmem>>)
        %gt3A = arith.constant 0 : i32
        %gt3A_131 = arith.cmpi sgt, %scan3A_76, %gt3A : i32
        %convert_element_type3A_132 = arith.extui %gt3A_131 : i1 to i32
        %cond3A_133 = arith.constant 0 : i32
        %cond3A_134 = arith.cmpi ne, %convert_element_type3A_132, %cond3A_133 : i32
        scf.if %cond3A_134 {
          %jit3A_309 = arith.constant 2 : i32
          %div3A_310 = arith.divsi %mul3A_78, %jit3A_309 : i32
          %sign3A_311 = arith.constant 0 : i32
          %sign3A_312 = arith.cmpi sgt, %mul3A_78, %sign3A_311 : i32
          %sign3A_313 = arith.extui %sign3A_312 : i1 to i32
          %sign3A_314 = arith.constant 0 : i32
          %sign3A_315 = arith.cmpi slt, %mul3A_78, %sign3A_314 : i32
          %sign3A_316 = arith.extui %sign3A_315 : i1 to i32
          %sign3A_317 = arith.subi %sign3A_313, %sign3A_316 : i32
          %sign3A_318 = arith.constant 0 : i32
          %sign3A_319 = arith.cmpi sgt, %jit3A_309, %sign3A_318 : i32
          %sign3A_320 = arith.extui %sign3A_319 : i1 to i32
          %sign3A_321 = arith.constant 0 : i32
          %sign3A_322 = arith.cmpi slt, %jit3A_309, %sign3A_321 : i32
          %sign3A_323 = arith.extui %sign3A_322 : i1 to i32
          %sign3A_324 = arith.subi %sign3A_320, %sign3A_323 : i32
          %ne3A_325 = arith.cmpi ne, %sign3A_317, %sign3A_324 : i32
          %rem3A_326 = arith.remsi %mul3A_78, %jit3A_309 : i32
          %ne3A_327 = arith.constant 0 : i32
          %ne3A_328 = arith.cmpi ne, %rem3A_326, %ne3A_327 : i32
          %and3A_329 = arith.andi %ne3A_325, %ne3A_328 : i1
          %sub3A_330 = arith.constant 1 : i32
          %sub3A_331 = arith.subi %div3A_310, %sub3A_330 : i32
          %select_n3A_332 = arith.select %and3A_329, %sub3A_331, %div3A_310 : i32
          %mul3A_333 = arith.constant 8192 : i32
          %mul3A_334 = arith.muli %select_n3A_30, %mul3A_333 : i32
          %jit3A_335 = arith.constant 2 : i32
          %eq3A_336 = arith.constant 0 : i32
          %eq3A_337 = arith.cmpi eq, %jit3A_335, %eq3A_336 : i32
          %jit3A_338 = arith.constant 1 : i32
          %select_n3A_339 = arith.select %eq3A_337, %jit3A_338, %jit3A_335 : i32
          %rem3A_340 = arith.remsi %mul3A_78, %select_n3A_339 : i32
          %ne3A_341 = arith.constant 0 : i32
          %ne3A_342 = arith.cmpi ne, %rem3A_340, %ne3A_341 : i32
          %lt3A_343 = arith.constant 0 : i32
          %lt3A_344 = arith.cmpi slt, %rem3A_340, %lt3A_343 : i32
          %lt3A_345 = arith.constant 0 : i32
          %lt3A_346 = arith.cmpi slt, %select_n3A_339, %lt3A_345 : i32
          %ne3A_347 = arith.xori %lt3A_344, %lt3A_346 : i1
          %and3A_348 = arith.andi %ne3A_347, %ne3A_342 : i1
          %add3A_349 = arith.addi %rem3A_340, %select_n3A_339 : i32
          %select_n3A_350 = arith.select %and3A_348, %add3A_349, %rem3A_340 : i32
          %mul3A_351 = arith.constant 4096 : i32
          %mul3A_352 = arith.muli %select_n3A_350, %mul3A_351 : i32
          %add3A_353 = arith.addi %mul3A_334, %mul3A_352 : i32
          %multiple_of3A_354 = tpu.assume_multiple %add3A_353, 4096 : i32
          %dma_wait3A_355 = tpu.memref_slice %arg4[%select_n3A, %select_n3A_332, %multiple_of3A_354] : memref<14x200x16384xf32, #tpu.memory_space<hbm>> -> memref<1x1x4096xf32, #tpu.memory_space<hbm>>
          %dma_wait3A_356 = tpu.memref_squeeze %dma_wait3A_355 : memref<1x1x4096xf32, #tpu.memory_space<hbm>> -> memref<4096xf32, #tpu.memory_space<hbm>>
          %dma_wait3A_357 = tpu.memref_slice %arg4[%select_n3A, %select_n3A_332, %multiple_of3A_354] : memref<14x200x16384xf32, #tpu.memory_space<hbm>> -> memref<1x1x4096xf32, #tpu.memory_space<hbm>>
          %dma_wait3A_358 = tpu.memref_squeeze %dma_wait3A_357 : memref<1x1x4096xf32, #tpu.memory_space<hbm>> -> memref<4096xf32, #tpu.memory_space<hbm>>
          tpu.wait_dma2 semaphore(%arg12 : memref<!tpu.dma_semaphore, #tpu.memory_space<semaphore_mem>>) src(%arg8 : memref<4096xf32, #tpu.memory_space<vmem>>) dst(%dma_wait3A_358 : memref<4096xf32, #tpu.memory_space<hbm>>)
        } else {
        }
        %parallel_loop3A = arith.constant 0 : i32
        %parallel_loop3A_135 = arith.constant 4096 : i32
        %parallel_loop3A_136 = arith.constant 16 : i32
        scf.for %parallel_loop3A_309 = %parallel_loop3A to %parallel_loop3A_135 step %parallel_loop3A_136  : i32 {
          %parallel_loop3A_310 = tpu.assume_multiple %parallel_loop3A_309, 16 : i32
          %parallel_loop3A_311 = arith.index_cast %parallel_loop3A_310 : i32 to index
          %parallel_loop3A_312 = tpu.vector_load %arg6[%parallel_loop3A_311] {strides = array<i32>} : memref<4096xi32, #tpu.memory_space<vmem>>, vector<16xi32>,
          %parallel_loop3A_313 = tpu.vector_load_idx %arg5[%parallel_loop3A_312] : memref<100000xf32, #tpu.memory_space<vmem>>[vector<16xi32>], vector<16xf32>,
          %parallel_loop3A_314 = arith.index_cast %parallel_loop3A_310 : i32 to index
          %parallel_loop3A_315 = tpu.vector_load %arg8[%parallel_loop3A_314] {strides = array<i32>} : memref<4096xf32, #tpu.memory_space<vmem>>, vector<16xf32>,
          tpu.vector_store %arg8[%parallel_loop3A_314], %parallel_loop3A_313 {strides = array<i32>} : memref<4096xf32, #tpu.memory_space<vmem>>, vector<16xf32>,
        } {sc.loop_unroll_factor = 8 : i64, sc.parallel_access}
        %jit3A_137 = arith.constant 2 : i32
        %div3A_138 = arith.divsi %mul3A_78, %jit3A_137 : i32
        %sign3A_139 = arith.constant 0 : i32
        %sign3A_140 = arith.cmpi sgt, %mul3A_78, %sign3A_139 : i32
        %sign3A_141 = arith.extui %sign3A_140 : i1 to i32
        %sign3A_142 = arith.constant 0 : i32
        %sign3A_143 = arith.cmpi slt, %mul3A_78, %sign3A_142 : i32
        %sign3A_144 = arith.extui %sign3A_143 : i1 to i32
        %sign3A_145 = arith.subi %sign3A_141, %sign3A_144 : i32
        %sign3A_146 = arith.constant 0 : i32
        %sign3A_147 = arith.cmpi sgt, %jit3A_137, %sign3A_146 : i32
        %sign3A_148 = arith.extui %sign3A_147 : i1 to i32
        %sign3A_149 = arith.constant 0 : i32
        %sign3A_150 = arith.cmpi slt, %jit3A_137, %sign3A_149 : i32
        %sign3A_151 = arith.extui %sign3A_150 : i1 to i32
        %sign3A_152 = arith.subi %sign3A_148, %sign3A_151 : i32
        %ne3A_153 = arith.cmpi ne, %sign3A_145, %sign3A_152 : i32
        %rem3A_154 = arith.remsi %mul3A_78, %jit3A_137 : i32
        %ne3A_155 = arith.constant 0 : i32
        %ne3A_156 = arith.cmpi ne, %rem3A_154, %ne3A_155 : i32
        %and3A_157 = arith.andi %ne3A_153, %ne3A_156 : i1
        %sub3A_158 = arith.constant 1 : i32
        %sub3A_159 = arith.subi %div3A_138, %sub3A_158 : i32
        %select_n3A_160 = arith.select %and3A_157, %sub3A_159, %div3A_138 : i32
        %mul3A_161 = arith.constant 8192 : i32
        %mul3A_162 = arith.muli %select_n3A_30, %mul3A_161 : i32
        %jit3A_163 = arith.constant 2 : i32
        %eq3A_164 = arith.constant 0 : i32
        %eq3A_165 = arith.cmpi eq, %jit3A_163, %eq3A_164 : i32
        %jit3A_166 = arith.constant 1 : i32
        %select_n3A_167 = arith.select %eq3A_165, %jit3A_166, %jit3A_163 : i32
        %rem3A_168 = arith.remsi %mul3A_78, %select_n3A_167 : i32
        %ne3A_169 = arith.constant 0 : i32
        %ne3A_170 = arith.cmpi ne, %rem3A_168, %ne3A_169 : i32
        %lt3A_171 = arith.constant 0 : i32
        %lt3A_172 = arith.cmpi slt, %rem3A_168, %lt3A_171 : i32
        %lt3A_173 = arith.constant 0 : i32
        %lt3A_174 = arith.cmpi slt, %select_n3A_167, %lt3A_173 : i32
        %ne3A_175 = arith.xori %lt3A_172, %lt3A_174 : i1
        %and3A_176 = arith.andi %ne3A_175, %ne3A_170 : i1
        %add3A_177 = arith.addi %rem3A_168, %select_n3A_167 : i32
        %select_n3A_178 = arith.select %and3A_176, %add3A_177, %rem3A_168 : i32
        %mul3A_179 = arith.constant 4096 : i32
        %mul3A_180 = arith.muli %select_n3A_178, %mul3A_179 : i32
        %add3A_181 = arith.addi %mul3A_162, %mul3A_180 : i32
        %multiple_of3A_182 = tpu.assume_multiple %add3A_181, 4096 : i32
        %dma_start3A_183 = tpu.memref_slice %arg4[%select_n3A, %select_n3A_160, %multiple_of3A_182] : memref<14x200x16384xf32, #tpu.memory_space<hbm>> -> memref<1x1x4096xf32, #tpu.memory_space<hbm>>
        %dma_start3A_184 = tpu.memref_squeeze %dma_start3A_183 : memref<1x1x4096xf32, #tpu.memory_space<hbm>> -> memref<4096xf32, #tpu.memory_space<hbm>>
        %dma_start3A_185 = tpu.memref_slice %arg4[%select_n3A, %select_n3A_160, %multiple_of3A_182] : memref<14x200x16384xf32, #tpu.memory_space<hbm>> -> memref<1x1x4096xf32, #tpu.memory_space<hbm>>
        %dma_start3A_186 = tpu.memref_squeeze %dma_start3A_185 : memref<1x1x4096xf32, #tpu.memory_space<hbm>> -> memref<4096xf32, #tpu.memory_space<hbm>>
        tpu.enqueue_dma source(%arg8 : memref<4096xf32, #tpu.memory_space<vmem>>) target(%dma_start3A_186 : memref<4096xf32, #tpu.memory_space<hbm>>) target_semaphore(%arg12 : memref<!tpu.dma_semaphore, #tpu.memory_space<semaphore_mem>>)
        %add3A_187 = arith.constant 1 : i32
        %add3A_188 = arith.addi %scan3A_76, %add3A_187 : i32
        %lt3A_189 = arith.constant 200 : i32
        %lt3A_190 = arith.cmpi slt, %add3A_188, %lt3A_189 : i32
        %convert_element_type3A_191 = arith.extui %lt3A_190 : i1 to i32
        %cond3A_192 = arith.constant 0 : i32
        %cond3A_193 = arith.cmpi ne, %convert_element_type3A_191, %cond3A_192 : i32
        scf.if %cond3A_193 {
          %add3A_309 = arith.constant 2 : i32
          %add3A_310 = arith.addi %mul3A_78, %add3A_309 : i32
          %jit3A_311 = arith.constant 2 : i32
          %div3A_312 = arith.divsi %add3A_310, %jit3A_311 : i32
          %sign3A_313 = arith.constant 0 : i32
          %sign3A_314 = arith.cmpi sgt, %add3A_310, %sign3A_313 : i32
          %sign3A_315 = arith.extui %sign3A_314 : i1 to i32
          %sign3A_316 = arith.constant 0 : i32
          %sign3A_317 = arith.cmpi slt, %add3A_310, %sign3A_316 : i32
          %sign3A_318 = arith.extui %sign3A_317 : i1 to i32
          %sign3A_319 = arith.subi %sign3A_315, %sign3A_318 : i32
          %sign3A_320 = arith.constant 0 : i32
          %sign3A_321 = arith.cmpi sgt, %jit3A_311, %sign3A_320 : i32
          %sign3A_322 = arith.extui %sign3A_321 : i1 to i32
          %sign3A_323 = arith.constant 0 : i32
          %sign3A_324 = arith.cmpi slt, %jit3A_311, %sign3A_323 : i32
          %sign3A_325 = arith.extui %sign3A_324 : i1 to i32
          %sign3A_326 = arith.subi %sign3A_322, %sign3A_325 : i32
          %ne3A_327 = arith.cmpi ne, %sign3A_319, %sign3A_326 : i32
          %rem3A_328 = arith.remsi %add3A_310, %jit3A_311 : i32
          %ne3A_329 = arith.constant 0 : i32
          %ne3A_330 = arith.cmpi ne, %rem3A_328, %ne3A_329 : i32
          %and3A_331 = arith.andi %ne3A_327, %ne3A_330 : i1
          %sub3A_332 = arith.constant 1 : i32
          %sub3A_333 = arith.subi %div3A_312, %sub3A_332 : i32
          %select_n3A_334 = arith.select %and3A_331, %sub3A_333, %div3A_312 : i32
          %mul3A_335 = arith.constant 8192 : i32
          %mul3A_336 = arith.muli %select_n3A_30, %mul3A_335 : i32
          %jit3A_337 = arith.constant 2 : i32
          %eq3A_338 = arith.constant 0 : i32
          %eq3A_339 = arith.cmpi eq, %jit3A_337, %eq3A_338 : i32
          %jit3A_340 = arith.constant 1 : i32
          %select_n3A_341 = arith.select %eq3A_339, %jit3A_340, %jit3A_337 : i32
          %rem3A_342 = arith.remsi %add3A_310, %select_n3A_341 : i32
          %ne3A_343 = arith.constant 0 : i32
          %ne3A_344 = arith.cmpi ne, %rem3A_342, %ne3A_343 : i32
          %lt3A_345 = arith.constant 0 : i32
          %lt3A_346 = arith.cmpi slt, %rem3A_342, %lt3A_345 : i32
          %lt3A_347 = arith.constant 0 : i32
          %lt3A_348 = arith.cmpi slt, %select_n3A_341, %lt3A_347 : i32
          %ne3A_349 = arith.xori %lt3A_346, %lt3A_348 : i1
          %and3A_350 = arith.andi %ne3A_349, %ne3A_344 : i1
          %add3A_351 = arith.addi %rem3A_342, %select_n3A_341 : i32
          %select_n3A_352 = arith.select %and3A_350, %add3A_351, %rem3A_342 : i32
          %mul3A_353 = arith.constant 4096 : i32
          %mul3A_354 = arith.muli %select_n3A_352, %mul3A_353 : i32
          %add3A_355 = arith.addi %mul3A_336, %mul3A_354 : i32
          %multiple_of3A_356 = tpu.assume_multiple %add3A_355, 4096 : i32
          %dma_start3A_357 = tpu.memref_slice %arg3[%select_n3A_334, %multiple_of3A_356] : memref<200x16384xi32, #tpu.memory_space<hbm>> -> memref<1x4096xi32, #tpu.memory_space<hbm>>
          %dma_start3A_358 = tpu.memref_squeeze %dma_start3A_357 : memref<1x4096xi32, #tpu.memory_space<hbm>> -> memref<4096xi32, #tpu.memory_space<hbm>>
          %dma_start3A_359 = tpu.memref_slice %arg3[%select_n3A_334, %multiple_of3A_356] : memref<200x16384xi32, #tpu.memory_space<hbm>> -> memref<1x4096xi32, #tpu.memory_space<hbm>>
          %dma_start3A_360 = tpu.memref_squeeze %dma_start3A_359 : memref<1x4096xi32, #tpu.memory_space<hbm>> -> memref<4096xi32, #tpu.memory_space<hbm>>
          tpu.enqueue_dma source(%dma_start3A_360 : memref<4096xi32, #tpu.memory_space<hbm>>) target(%arg6 : memref<4096xi32, #tpu.memory_space<vmem>>) target_semaphore(%arg10 : memref<!tpu.dma_semaphore, #tpu.memory_space<semaphore_mem>>)
        } else {
        }
        %jit3A_194 = arith.constant 2 : i32
        %div3A_195 = arith.divsi %add3A_80, %jit3A_194 : i32
        %sign3A_196 = arith.constant 0 : i32
        %sign3A_197 = arith.cmpi sgt, %add3A_80, %sign3A_196 : i32
        %sign3A_198 = arith.extui %sign3A_197 : i1 to i32
        %sign3A_199 = arith.constant 0 : i32
        %sign3A_200 = arith.cmpi slt, %add3A_80, %sign3A_199 : i32
        %sign3A_201 = arith.extui %sign3A_200 : i1 to i32
        %sign3A_202 = arith.subi %sign3A_198, %sign3A_201 : i32
        %sign3A_203 = arith.constant 0 : i32
        %sign3A_204 = arith.cmpi sgt, %jit3A_194, %sign3A_203 : i32
        %sign3A_205 = arith.extui %sign3A_204 : i1 to i32
        %sign3A_206 = arith.constant 0 : i32
        %sign3A_207 = arith.cmpi slt, %jit3A_194, %sign3A_206 : i32
        %sign3A_208 = arith.extui %sign3A_207 : i1 to i32
        %sign3A_209 = arith.subi %sign3A_205, %sign3A_208 : i32
        %ne3A_210 = arith.cmpi ne, %sign3A_202, %sign3A_209 : i32
        %rem3A_211 = arith.remsi %add3A_80, %jit3A_194 : i32
        %ne3A_212 = arith.constant 0 : i32
        %ne3A_213 = arith.cmpi ne, %rem3A_211, %ne3A_212 : i32
        %and3A_214 = arith.andi %ne3A_210, %ne3A_213 : i1
        %sub3A_215 = arith.constant 1 : i32
        %sub3A_216 = arith.subi %div3A_195, %sub3A_215 : i32
        %select_n3A_217 = arith.select %and3A_214, %sub3A_216, %div3A_195 : i32
        %mul3A_218 = arith.constant 8192 : i32
        %mul3A_219 = arith.muli %select_n3A_30, %mul3A_218 : i32
        %jit3A_220 = arith.constant 2 : i32
        %eq3A_221 = arith.constant 0 : i32
        %eq3A_222 = arith.cmpi eq, %jit3A_220, %eq3A_221 : i32
        %jit3A_223 = arith.constant 1 : i32
        %select_n3A_224 = arith.select %eq3A_222, %jit3A_223, %jit3A_220 : i32
        %rem3A_225 = arith.remsi %add3A_80, %select_n3A_224 : i32
        %ne3A_226 = arith.constant 0 : i32
        %ne3A_227 = arith.cmpi ne, %rem3A_225, %ne3A_226 : i32
        %lt3A_228 = arith.constant 0 : i32
        %lt3A_229 = arith.cmpi slt, %rem3A_225, %lt3A_228 : i32
        %lt3A_230 = arith.constant 0 : i32
        %lt3A_231 = arith.cmpi slt, %select_n3A_224, %lt3A_230 : i32
        %ne3A_232 = arith.xori %lt3A_229, %lt3A_231 : i1
        %and3A_233 = arith.andi %ne3A_232, %ne3A_227 : i1
        %add3A_234 = arith.addi %rem3A_225, %select_n3A_224 : i32
        %select_n3A_235 = arith.select %and3A_233, %add3A_234, %rem3A_225 : i32
        %mul3A_236 = arith.constant 4096 : i32
        %mul3A_237 = arith.muli %select_n3A_235, %mul3A_236 : i32
        %add3A_238 = arith.addi %mul3A_219, %mul3A_237 : i32
        %multiple_of3A_239 = tpu.assume_multiple %add3A_238, 4096 : i32
        %dma_wait3A_240 = tpu.memref_slice %arg3[%select_n3A_217, %multiple_of3A_239] : memref<200x16384xi32, #tpu.memory_space<hbm>> -> memref<1x4096xi32, #tpu.memory_space<hbm>>
        %dma_wait3A_241 = tpu.memref_squeeze %dma_wait3A_240 : memref<1x4096xi32, #tpu.memory_space<hbm>> -> memref<4096xi32, #tpu.memory_space<hbm>>
        %dma_wait3A_242 = tpu.memref_slice %arg3[%select_n3A_217, %multiple_of3A_239] : memref<200x16384xi32, #tpu.memory_space<hbm>> -> memref<1x4096xi32, #tpu.memory_space<hbm>>
        %dma_wait3A_243 = tpu.memref_squeeze %dma_wait3A_242 : memref<1x4096xi32, #tpu.memory_space<hbm>> -> memref<4096xi32, #tpu.memory_space<hbm>>
        tpu.wait_dma2 semaphore(%arg11 : memref<!tpu.dma_semaphore, #tpu.memory_space<semaphore_mem>>) src(%dma_wait3A_243 : memref<4096xi32, #tpu.memory_space<hbm>>) dst(%arg7 : memref<4096xi32, #tpu.memory_space<vmem>>)
        %gt3A_244 = arith.constant 0 : i32
        %gt3A_245 = arith.cmpi sgt, %scan3A_76, %gt3A_244 : i32
        %convert_element_type3A_246 = arith.extui %gt3A_245 : i1 to i32
        %cond3A_247 = arith.constant 0 : i32
        %cond3A_248 = arith.cmpi ne, %convert_element_type3A_246, %cond3A_247 : i32
        scf.if %cond3A_248 {
          %jit3A_309 = arith.constant 2 : i32
          %div3A_310 = arith.divsi %add3A_80, %jit3A_309 : i32
          %sign3A_311 = arith.constant 0 : i32
          %sign3A_312 = arith.cmpi sgt, %add3A_80, %sign3A_311 : i32
          %sign3A_313 = arith.extui %sign3A_312 : i1 to i32
          %sign3A_314 = arith.constant 0 : i32
          %sign3A_315 = arith.cmpi slt, %add3A_80, %sign3A_314 : i32
          %sign3A_316 = arith.extui %sign3A_315 : i1 to i32
          %sign3A_317 = arith.subi %sign3A_313, %sign3A_316 : i32
          %sign3A_318 = arith.constant 0 : i32
          %sign3A_319 = arith.cmpi sgt, %jit3A_309, %sign3A_318 : i32
          %sign3A_320 = arith.extui %sign3A_319 : i1 to i32
          %sign3A_321 = arith.constant 0 : i32
          %sign3A_322 = arith.cmpi slt, %jit3A_309, %sign3A_321 : i32
          %sign3A_323 = arith.extui %sign3A_322 : i1 to i32
          %sign3A_324 = arith.subi %sign3A_320, %sign3A_323 : i32
          %ne3A_325 = arith.cmpi ne, %sign3A_317, %sign3A_324 : i32
          %rem3A_326 = arith.remsi %add3A_80, %jit3A_309 : i32
          %ne3A_327 = arith.constant 0 : i32
          %ne3A_328 = arith.cmpi ne, %rem3A_326, %ne3A_327 : i32
          %and3A_329 = arith.andi %ne3A_325, %ne3A_328 : i1
          %sub3A_330 = arith.constant 1 : i32
          %sub3A_331 = arith.subi %div3A_310, %sub3A_330 : i32
          %select_n3A_332 = arith.select %and3A_329, %sub3A_331, %div3A_310 : i32
          %mul3A_333 = arith.constant 8192 : i32
          %mul3A_334 = arith.muli %select_n3A_30, %mul3A_333 : i32
          %jit3A_335 = arith.constant 2 : i32
          %eq3A_336 = arith.constant 0 : i32
          %eq3A_337 = arith.cmpi eq, %jit3A_335, %eq3A_336 : i32
          %jit3A_338 = arith.constant 1 : i32
          %select_n3A_339 = arith.select %eq3A_337, %jit3A_338, %jit3A_335 : i32
          %rem3A_340 = arith.remsi %add3A_80, %select_n3A_339 : i32
          %ne3A_341 = arith.constant 0 : i32
          %ne3A_342 = arith.cmpi ne, %rem3A_340, %ne3A_341 : i32
          %lt3A_343 = arith.constant 0 : i32
          %lt3A_344 = arith.cmpi slt, %rem3A_340, %lt3A_343 : i32
          %lt3A_345 = arith.constant 0 : i32
          %lt3A_346 = arith.cmpi slt, %select_n3A_339, %lt3A_345 : i32
          %ne3A_347 = arith.xori %lt3A_344, %lt3A_346 : i1
          %and3A_348 = arith.andi %ne3A_347, %ne3A_342 : i1
          %add3A_349 = arith.addi %rem3A_340, %select_n3A_339 : i32
          %select_n3A_350 = arith.select %and3A_348, %add3A_349, %rem3A_340 : i32
          %mul3A_351 = arith.constant 4096 : i32
          %mul3A_352 = arith.muli %select_n3A_350, %mul3A_351 : i32
          %add3A_353 = arith.addi %mul3A_334, %mul3A_352 : i32
          %multiple_of3A_354 = tpu.assume_multiple %add3A_353, 4096 : i32
          %dma_wait3A_355 = tpu.memref_slice %arg4[%select_n3A, %select_n3A_332, %multiple_of3A_354] : memref<14x200x16384xf32, #tpu.memory_space<hbm>> -> memref<1x1x4096xf32, #tpu.memory_space<hbm>>
          %dma_wait3A_356 = tpu.memref_squeeze %dma_wait3A_355 : memref<1x1x4096xf32, #tpu.memory_space<hbm>> -> memref<4096xf32, #tpu.memory_space<hbm>>
          %dma_wait3A_357 = tpu.memref_slice %arg4[%select_n3A, %select_n3A_332, %multiple_of3A_354] : memref<14x200x16384xf32, #tpu.memory_space<hbm>> -> memref<1x1x4096xf32, #tpu.memory_space<hbm>>
          %dma_wait3A_358 = tpu.memref_squeeze %dma_wait3A_357 : memref<1x1x4096xf32, #tpu.memory_space<hbm>> -> memref<4096xf32, #tpu.memory_space<hbm>>
          tpu.wait_dma2 semaphore(%arg13 : memref<!tpu.dma_semaphore, #tpu.memory_space<semaphore_mem>>) src(%arg9 : memref<4096xf32, #tpu.memory_space<vmem>>) dst(%dma_wait3A_358 : memref<4096xf32, #tpu.memory_space<hbm>>)
        } else {
        }
        %parallel_loop3A_249 = arith.constant 0 : i32
        %parallel_loop3A_250 = arith.constant 4096 : i32
        %parallel_loop3A_251 = arith.constant 16 : i32
        scf.for %parallel_loop3A_309 = %parallel_loop3A_249 to %parallel_loop3A_250 step %parallel_loop3A_251  : i32 {
          %parallel_loop3A_310 = tpu.assume_multiple %parallel_loop3A_309, 16 : i32
          %parallel_loop3A_311 = arith.index_cast %parallel_loop3A_310 : i32 to index
          %parallel_loop3A_312 = tpu.vector_load %arg7[%parallel_loop3A_311] {strides = array<i32>} : memref<4096xi32, #tpu.memory_space<vmem>>, vector<16xi32>,
          %parallel_loop3A_313 = tpu.vector_load_idx %arg5[%parallel_loop3A_312] : memref<100000xf32, #tpu.memory_space<vmem>>[vector<16xi32>], vector<16xf32>,
          %parallel_loop3A_314 = arith.index_cast %parallel_loop3A_310 : i32 to index
          %parallel_loop3A_315 = tpu.vector_load %arg9[%parallel_loop3A_314] {strides = array<i32>} : memref<4096xf32, #tpu.memory_space<vmem>>, vector<16xf32>,
          tpu.vector_store %arg9[%parallel_loop3A_314], %parallel_loop3A_313 {strides = array<i32>} : memref<4096xf32, #tpu.memory_space<vmem>>, vector<16xf32>,
        } {sc.loop_unroll_factor = 8 : i64, sc.parallel_access}
        %jit3A_252 = arith.constant 2 : i32
        %div3A_253 = arith.divsi %add3A_80, %jit3A_252 : i32
        %sign3A_254 = arith.constant 0 : i32
        %sign3A_255 = arith.cmpi sgt, %add3A_80, %sign3A_254 : i32
        %sign3A_256 = arith.extui %sign3A_255 : i1 to i32
        %sign3A_257 = arith.constant 0 : i32
        %sign3A_258 = arith.cmpi slt, %add3A_80, %sign3A_257 : i32
        %sign3A_259 = arith.extui %sign3A_258 : i1 to i32
        %sign3A_260 = arith.subi %sign3A_256, %sign3A_259 : i32
        %sign3A_261 = arith.constant 0 : i32
        %sign3A_262 = arith.cmpi sgt, %jit3A_252, %sign3A_261 : i32
        %sign3A_263 = arith.extui %sign3A_262 : i1 to i32
        %sign3A_264 = arith.constant 0 : i32
        %sign3A_265 = arith.cmpi slt, %jit3A_252, %sign3A_264 : i32
        %sign3A_266 = arith.extui %sign3A_265 : i1 to i32
        %sign3A_267 = arith.subi %sign3A_263, %sign3A_266 : i32
        %ne3A_268 = arith.cmpi ne, %sign3A_260, %sign3A_267 : i32
        %rem3A_269 = arith.remsi %add3A_80, %jit3A_252 : i32
        %ne3A_270 = arith.constant 0 : i32
        %ne3A_271 = arith.cmpi ne, %rem3A_269, %ne3A_270 : i32
        %and3A_272 = arith.andi %ne3A_268, %ne3A_271 : i1
        %sub3A_273 = arith.constant 1 : i32
        %sub3A_274 = arith.subi %div3A_253, %sub3A_273 : i32
        %select_n3A_275 = arith.select %and3A_272, %sub3A_274, %div3A_253 : i32
        %mul3A_276 = arith.constant 8192 : i32
        %mul3A_277 = arith.muli %select_n3A_30, %mul3A_276 : i32
        %jit3A_278 = arith.constant 2 : i32
        %eq3A_279 = arith.constant 0 : i32
        %eq3A_280 = arith.cmpi eq, %jit3A_278, %eq3A_279 : i32
        %jit3A_281 = arith.constant 1 : i32
        %select_n3A_282 = arith.select %eq3A_280, %jit3A_281, %jit3A_278 : i32
        %rem3A_283 = arith.remsi %add3A_80, %select_n3A_282 : i32
        %ne3A_284 = arith.constant 0 : i32
        %ne3A_285 = arith.cmpi ne, %rem3A_283, %ne3A_284 : i32
        %lt3A_286 = arith.constant 0 : i32
        %lt3A_287 = arith.cmpi slt, %rem3A_283, %lt3A_286 : i32
        %lt3A_288 = arith.constant 0 : i32
        %lt3A_289 = arith.cmpi slt, %select_n3A_282, %lt3A_288 : i32
        %ne3A_290 = arith.xori %lt3A_287, %lt3A_289 : i1
        %and3A_291 = arith.andi %ne3A_290, %ne3A_285 : i1
        %add3A_292 = arith.addi %rem3A_283, %select_n3A_282 : i32
        %select_n3A_293 = arith.select %and3A_291, %add3A_292, %rem3A_283 : i32
        %mul3A_294 = arith.constant 4096 : i32
        %mul3A_295 = arith.muli %select_n3A_293, %mul3A_294 : i32
        %add3A_296 = arith.addi %mul3A_277, %mul3A_295 : i32
        %multiple_of3A_297 = tpu.assume_multiple %add3A_296, 4096 : i32
        %dma_start3A_298 = tpu.memref_slice %arg4[%select_n3A, %select_n3A_275, %multiple_of3A_297] : memref<14x200x16384xf32, #tpu.memory_space<hbm>> -> memref<1x1x4096xf32, #tpu.memory_space<hbm>>
        %dma_start3A_299 = tpu.memref_squeeze %dma_start3A_298 : memref<1x1x4096xf32, #tpu.memory_space<hbm>> -> memref<4096xf32, #tpu.memory_space<hbm>>
        %dma_start3A_300 = tpu.memref_slice %arg4[%select_n3A, %select_n3A_275, %multiple_of3A_297] : memref<14x200x16384xf32, #tpu.memory_space<hbm>> -> memref<1x1x4096xf32, #tpu.memory_space<hbm>>
        %dma_start3A_301 = tpu.memref_squeeze %dma_start3A_300 : memref<1x1x4096xf32, #tpu.memory_space<hbm>> -> memref<4096xf32, #tpu.memory_space<hbm>>
        tpu.enqueue_dma source(%arg9 : memref<4096xf32, #tpu.memory_space<vmem>>) target(%dma_start3A_301 : memref<4096xf32, #tpu.memory_space<hbm>>) target_semaphore(%arg13 : memref<!tpu.dma_semaphore, #tpu.memory_space<semaphore_mem>>)
        %add3A_302 = arith.constant 1 : i32
        %add3A_303 = arith.addi %scan3A_76, %add3A_302 : i32
        %lt3A_304 = arith.constant 200 : i32
        %lt3A_305 = arith.cmpi slt, %add3A_303, %lt3A_304 : i32
        %convert_element_type3A_306 = arith.extui %lt3A_305 : i1 to i32
        %cond3A_307 = arith.constant 0 : i32
        %cond3A_308 = arith.cmpi ne, %convert_element_type3A_306, %cond3A_307 : i32
        scf.if %cond3A_308 {
          %add3A_309 = arith.constant 2 : i32
          %add3A_310 = arith.addi %add3A_80, %add3A_309 : i32
          %jit3A_311 = arith.constant 2 : i32
          %div3A_312 = arith.divsi %add3A_310, %jit3A_311 : i32
          %sign3A_313 = arith.constant 0 : i32
          %sign3A_314 = arith.cmpi sgt, %add3A_310, %sign3A_313 : i32
          %sign3A_315 = arith.extui %sign3A_314 : i1 to i32
          %sign3A_316 = arith.constant 0 : i32
          %sign3A_317 = arith.cmpi slt, %add3A_310, %sign3A_316 : i32
          %sign3A_318 = arith.extui %sign3A_317 : i1 to i32
          %sign3A_319 = arith.subi %sign3A_315, %sign3A_318 : i32
          %sign3A_320 = arith.constant 0 : i32
          %sign3A_321 = arith.cmpi sgt, %jit3A_311, %sign3A_320 : i32
          %sign3A_322 = arith.extui %sign3A_321 : i1 to i32
          %sign3A_323 = arith.constant 0 : i32
          %sign3A_324 = arith.cmpi slt, %jit3A_311, %sign3A_323 : i32
          %sign3A_325 = arith.extui %sign3A_324 : i1 to i32
          %sign3A_326 = arith.subi %sign3A_322, %sign3A_325 : i32
          %ne3A_327 = arith.cmpi ne, %sign3A_319, %sign3A_326 : i32
          %rem3A_328 = arith.remsi %add3A_310, %jit3A_311 : i32
          %ne3A_329 = arith.constant 0 : i32
          %ne3A_330 = arith.cmpi ne, %rem3A_328, %ne3A_329 : i32
          %and3A_331 = arith.andi %ne3A_327, %ne3A_330 : i1
          %sub3A_332 = arith.constant 1 : i32
          %sub3A_333 = arith.subi %div3A_312, %sub3A_332 : i32
          %select_n3A_334 = arith.select %and3A_331, %sub3A_333, %div3A_312 : i32
          %mul3A_335 = arith.constant 8192 : i32
          %mul3A_336 = arith.muli %select_n3A_30, %mul3A_335 : i32
          %jit3A_337 = arith.constant 2 : i32
          %eq3A_338 = arith.constant 0 : i32
          %eq3A_339 = arith.cmpi eq, %jit3A_337, %eq3A_338 : i32
          %jit3A_340 = arith.constant 1 : i32
          %select_n3A_341 = arith.select %eq3A_339, %jit3A_340, %jit3A_337 : i32
          %rem3A_342 = arith.remsi %add3A_310, %select_n3A_341 : i32
          %ne3A_343 = arith.constant 0 : i32
          %ne3A_344 = arith.cmpi ne, %rem3A_342, %ne3A_343 : i32
          %lt3A_345 = arith.constant 0 : i32
          %lt3A_346 = arith.cmpi slt, %rem3A_342, %lt3A_345 : i32
          %lt3A_347 = arith.constant 0 : i32
          %lt3A_348 = arith.cmpi slt, %select_n3A_341, %lt3A_347 : i32
          %ne3A_349 = arith.xori %lt3A_346, %lt3A_348 : i1
          %and3A_350 = arith.andi %ne3A_349, %ne3A_344 : i1
          %add3A_351 = arith.addi %rem3A_342, %select_n3A_341 : i32
          %select_n3A_352 = arith.select %and3A_350, %add3A_351, %rem3A_342 : i32
          %mul3A_353 = arith.constant 4096 : i32
          %mul3A_354 = arith.muli %select_n3A_352, %mul3A_353 : i32
          %add3A_355 = arith.addi %mul3A_336, %mul3A_354 : i32
          %multiple_of3A_356 = tpu.assume_multiple %add3A_355, 4096 : i32
          %dma_start3A_357 = tpu.memref_slice %arg3[%select_n3A_334, %multiple_of3A_356] : memref<200x16384xi32, #tpu.memory_space<hbm>> -> memref<1x4096xi32, #tpu.memory_space<hbm>>
          %dma_start3A_358 = tpu.memref_squeeze %dma_start3A_357 : memref<1x4096xi32, #tpu.memory_space<hbm>> -> memref<4096xi32, #tpu.memory_space<hbm>>
          %dma_start3A_359 = tpu.memref_slice %arg3[%select_n3A_334, %multiple_of3A_356] : memref<200x16384xi32, #tpu.memory_space<hbm>> -> memref<1x4096xi32, #tpu.memory_space<hbm>>
          %dma_start3A_360 = tpu.memref_squeeze %dma_start3A_359 : memref<1x4096xi32, #tpu.memory_space<hbm>> -> memref<4096xi32, #tpu.memory_space<hbm>>
          tpu.enqueue_dma source(%dma_start3A_360 : memref<4096xi32, #tpu.memory_space<hbm>>) target(%arg7 : memref<4096xi32, #tpu.memory_space<vmem>>) target_semaphore(%arg11 : memref<!tpu.dma_semaphore, #tpu.memory_space<semaphore_mem>>)
        } else {
        }
      }
      %scan3A_56 = arith.constant 200 : i32
      %mul3A_57 = arith.constant 8192 : i32
      %mul3A_58 = arith.muli %select_n3A_30, %mul3A_57 : i32
      %add3A_59 = arith.constant 0 : i32
      %add3A_60 = arith.addi %mul3A_58, %add3A_59 : i32
      %multiple_of3A_61 = tpu.assume_multiple %add3A_60, 4096 : i32
      %dma_wait3A = arith.constant 199 : i32
      %dma_wait3A_62 = tpu.memref_slice %arg4[%select_n3A, %dma_wait3A, %multiple_of3A_61] : memref<14x200x16384xf32, #tpu.memory_space<hbm>> -> memref<1x1x4096xf32, #tpu.memory_space<hbm>>
      %dma_wait3A_63 = tpu.memref_squeeze %dma_wait3A_62 : memref<1x1x4096xf32, #tpu.memory_space<hbm>> -> memref<4096xf32, #tpu.memory_space<hbm>>
      %dma_wait3A_64 = tpu.memref_slice %arg4[%select_n3A, %dma_wait3A, %multiple_of3A_61] : memref<14x200x16384xf32, #tpu.memory_space<hbm>> -> memref<1x1x4096xf32, #tpu.memory_space<hbm>>
      %dma_wait3A_65 = tpu.memref_squeeze %dma_wait3A_64 : memref<1x1x4096xf32, #tpu.memory_space<hbm>> -> memref<4096xf32, #tpu.memory_space<hbm>>
      tpu.wait_dma2 semaphore(%arg12 : memref<!tpu.dma_semaphore, #tpu.memory_space<semaphore_mem>>) src(%arg8 : memref<4096xf32, #tpu.memory_space<vmem>>) dst(%dma_wait3A_65 : memref<4096xf32, #tpu.memory_space<hbm>>)
      %mul3A_66 = arith.constant 8192 : i32
      %mul3A_67 = arith.muli %select_n3A_30, %mul3A_66 : i32
      %add3A_68 = arith.constant 4096 : i32
      %add3A_69 = arith.addi %mul3A_67, %add3A_68 : i32
      %multiple_of3A_70 = tpu.assume_multiple %add3A_69, 4096 : i32
      %dma_wait3A_71 = arith.constant 199 : i32
      %dma_wait3A_72 = tpu.memref_slice %arg4[%select_n3A, %dma_wait3A_71, %multiple_of3A_70] : memref<14x200x16384xf32, #tpu.memory_space<hbm>> -> memref<1x1x4096xf32, #tpu.memory_space<hbm>>
      %dma_wait3A_73 = tpu.memref_squeeze %dma_wait3A_72 : memref<1x1x4096xf32, #tpu.memory_space<hbm>> -> memref<4096xf32, #tpu.memory_space<hbm>>
      %dma_wait3A_74 = tpu.memref_slice %arg4[%select_n3A, %dma_wait3A_71, %multiple_of3A_70] : memref<14x200x16384xf32, #tpu.memory_space<hbm>> -> memref<1x1x4096xf32, #tpu.memory_space<hbm>>
      %dma_wait3A_75 = tpu.memref_squeeze %dma_wait3A_74 : memref<1x1x4096xf32, #tpu.memory_space<hbm>> -> memref<4096xf32, #tpu.memory_space<hbm>>
      tpu.wait_dma2 semaphore(%arg13 : memref<!tpu.dma_semaphore, #tpu.memory_space<semaphore_mem>>) src(%arg9 : memref<4096xf32, #tpu.memory_space<vmem>>) dst(%dma_wait3A_75 : memref<4096xf32, #tpu.memory_space<hbm>>)
    } else {
    }
    return
  }
}

</mosaic_0001>

<sc_bundles>
// kernel: kernel.3.cloned.1.call-start
scs
__scs_entry_jumppad:
0x0: {  	(pc) =	sbr.rel $0x88, $3  }
0x1: {  	(tag) =	ssettag $0x0;
	lr =	simm.s32 $0x1  }
0x2: {  	[smem:$0x3F9F] =	sst lr;
	_ =	strace $0xD0000000  }
0x3: {  	_ = 	snop  }
0x4: {  	_ = 	snop  }
0x5: {  	_ = 	snop  }
0x6: {  	_ = 	snop  }
0x7: {  	_ = 	snop  }
__scs_overlays_trampoline_lowered:
0x8: {  	[smem:$0x3FAE] =	sst s0  }
0x9: {  	[smem:$0x3FAF] =	sst s1  }
0xa: {  	[smem:$0x3FB0] =	sst s2  }
0xb: {  	[smem:$0x3FB1] =	sst s3  }
0xc: {  	[smem:$0x3FB2] =	sst s4  }
0xd: {  	[smem:$0x3FB3] =	sst s5  }
0xe: {  	[smem:$0x3FB4] =	sst s6  }
0xf: {  	[smem:$0x3FB5] =	sst s7  }
0x10: {  	[smem:$0x3FB6] =	sst s8  }
0x11: {  	[smem:$0x3FB7] =	sst s9;
	s0 =	simm.s32 @!p0 $0x0  }
0x12: {  	s1 =	sld [smem:$0x3F9D];
	s0 =	simm.s32 @p0 $0x1  }
0x13: {  	[smem:$0x3FB8] =	sst s0;
	s0 =	simm.s32 @!p1 $0x0  }
0x14: {  	s2 =	sld [smem:$0x3F9C];
	s0 =	simm.s32 @p1 $0x1  }
0x15: {  	[smem:$0x3FB9] =	sst s0;
	s0 =	simm.s32 @!p2 $0x0  }
0x16: {  	s3 =	sld [smem:$0x3FDB];
	s0 =	simm.s32 @p2 $0x1  }
0x17: {  	s4 =	simm.s32 $0x1BF5;
	[smem:$0x3FBB] =	sst s0  }
0x18: {  	s0 =	sld [smem:$0x3F9E];
	_ =	swait.ge [sflag:s4], $0x0  }
0x19: {  	s7 =	sld [smem:$0x3F9F]  }
0x1a: {  	s8 =	sadd.s32 $0xFFFFE003, lr  }
0x1b: {  	s9 =	sadd.s32 $0xFFFFFEF7, lr;
	s5 =	simm.s32 $0xFFFFFFFF;
	p2 =	slt.u32 s8, $0xFFFFF086  }
0x1c: {  	p1 =	slt.u32 s9, $0xF7A;
	s5 =	simm.s32 @!p2 $0x0  }
0x1d: {  	s5 =	simm.s32 @p1 $0x1;
	p0 =	seq.s32 s7, s2  }
0x1e: {  	s7 =	smul.u32 @!p0 $0xF7A, s2;
	p2 =	seq.s32 @!p0 s5, $0x0  }
0x1f: {  	s9 =	smul.u32 $0xF7A, s1;
	s8 =	simm.s32 @!p0 $0x1BF5;
	p2 =	por !p2, p0  }
0x20: {  	[sflag:s8] =	ssyncset.s32 @!p0 $0xFFFFF086;
	s6 =	sadd.s32 @!p0 s3, s7;
	s7 =	simm.s32 @!p0 $0x108  }
0x21: {  	s3 =	sadd.s32 s3, s9;
	s6 =	sadd.s32 @!p0 $0x88, s6;
	s7 =	simm.s32 @p2 $0x1082  }
0x22: {  	[simem:s7], [sflag:s8] =	dma.local @!p0 [hbm:s6], $0xF7A  }
0x23: {  	s9 =	sor.u32 $0xD0000000, s2;
	s6 =	simm.s32 $0x108;
	_ =	swait.ge @!p0 [sflag:s8], $0x0  }
0x24: {  	s3 =	sadd.s32 $0x88, s3;
	s6 =	simm.s32 @!p1 $0x1082;
	[sflag:s4] =	ssyncset.s32 $0xFFFFF086  }
0x25: {  	[simem:s6], [sflag:s4] =	dma.local [hbm:s3], $0xF7A  }
0x26: {  	[smem:$0x3F9F] =	sst s1;
	(tag) =	ssettag s2;
	_ =	strace s9  }
0x27: {  	s1 =	sld [smem:$0x3FAF]  }
0x28: {  	s2 =	sld [smem:$0x3FB0]  }
0x29: {  	s4 =	sld [smem:$0x3FB2]  }
0x2a: {  	p0 =	seq.s32 s5, $0x0;
	s5 =	sld [smem:$0x3FB3]  }
0x2b: {  	s6 =	sld [smem:$0x3FB4]  }
0x2c: {  	s7 =	sld [smem:$0x3FB5]  }
0x2d: {  	s3 =	simm.s32 $0x108;
	s8 =	sld [smem:$0x3FB6]  }
0x2e: {  	s3 =	simm.s32 @!p0 $0x1082;
	s9 =	sld [smem:$0x3FB7]  }
0x2f: {  	lr =	sadd.s32 s0, s3;
	s0 =	sld [smem:$0x3FAE]  }
0x30: {  	s3 =	sld [smem:$0x3FB1]  }
0x31: {  	[smem:$0x3FBA] =	sst s10  }
0x32: {  	s10 =	sld [smem:$0x3FB8];
	_ =	sdelay $0x3  }
0x33: {  	p0 =	seq.s32 s10, $0x1;
	s10 =	sld [smem:$0x3FBA];
	_ =	sdelay $0x3  }
0x34: {  	[smem:$0x3FBA] =	sst s10  }
0x35: {  	s10 =	sld [smem:$0x3FB9];
	_ =	sdelay $0x3  }
0x36: {  	p1 =	seq.s32 s10, $0x1;
	s10 =	sld [smem:$0x3FBA];
	_ =	sdelay $0x3  }
0x37: {  	[smem:$0x3FBA] =	sst s10  }
0x38: {  	s10 =	sld [smem:$0x3FBB]  }
0x39: {  	_ = 	snop;
	(pc) =	sbr.ind lr, $3  }
0x3a: {  	_ = 	snop  }
0x3b: {  	_ = 	snop  }
0x3c: {  	p2 =	seq.s32 s10, $0x1;
	s10 =	sld [smem:$0x3FBA]  }
0x3d: {  	_ =	shalt  }
0x3e: {  	_ =	shalt  }
0x3f: {  	_ =	shalt  }
0x40: {  	_ =	shalt  }
0x41: {  	_ =	shalt  }
0x42: {  	_ =	shalt  }
0x43: {  	_ =	shalt  }
0x44: {  	_ =	shalt  }
0x45: {  	_ =	shalt  }
0x46: {  	_ =	shalt  }
0x47: {  	_ =	shalt  }
0x48: {  	_ =	shalt  }
0x49: {  	_ =	shalt  }
0x4a: {  	_ =	shalt  }
0x4b: {  	_ =	shalt  }
0x4c: {  	_ =	shalt  }
0x4d: {  	_ =	shalt  }
0x4e: {  	_ =	shalt  }
0x4f: {  	_ =	shalt  }
0x50: {  	_ =	shalt  }
0x51: {  	_ =	shalt  }
0x52: {  	_ =	shalt  }
0x53: {  	_ =	shalt  }
0x54: {  	_ =	shalt  }
0x55: {  	_ =	shalt  }
0x56: {  	_ =	shalt  }
0x57: {  	_ =	shalt  }
0x58: {  	_ =	shalt  }
0x59: {  	_ =	shalt  }
0x5a: {  	_ =	shalt  }
0x5b: {  	_ =	shalt  }
0x5c: {  	_ =	shalt  }
0x5d: {  	_ =	shalt  }
0x5e: {  	_ =	shalt  }
0x5f: {  	_ =	shalt  }
0x60: {  	_ =	shalt  }
0x61: {  	_ =	shalt  }
0x62: {  	_ =	shalt  }
0x63: {  	_ =	shalt  }
0x64: {  	_ =	shalt  }
0x65: {  	_ =	shalt  }
0x66: {  	_ =	shalt  }
0x67: {  	_ =	shalt  }
0x68: {  	_ =	shalt  }
0x69: {  	_ =	shalt  }
0x6a: {  	_ =	shalt  }
0x6b: {  	_ =	shalt  }
0x6c: {  	_ =	shalt  }
0x6d: {  	_ =	shalt  }
0x6e: {  	_ =	shalt  }
0x6f: {  	_ =	shalt  }
0x70: {  	_ =	shalt  }
0x71: {  	_ =	shalt  }
0x72: {  	_ =	shalt  }
0x73: {  	_ =	shalt  }
0x74: {  	_ =	shalt  }
0x75: {  	_ =	shalt  }
0x76: {  	_ =	shalt  }
0x77: {  	_ =	shalt  }
0x78: {  	_ =	shalt  }
0x79: {  	_ =	shalt  }
0x7a: {  	_ =	shalt  }
0x7b: {  	_ =	shalt  }
0x7c: {  	_ =	shalt  }
0x7d: {  	_ =	shalt  }
0x7e: {  	_ =	shalt  }
0x7f: {  	_ =	shalt  }
0x80: {  	_ =	shalt  }
0x81: {  	_ =	shalt  }
0x82: {  	_ =	shalt  }
0x83: {  	_ =	shalt  }
0x84: {  	_ =	shalt  }
0x85: {  	_ =	shalt  }
0x86: {  	_ =	shalt  }
0x87: {  	_ =	shalt  }
.Lfunc_end0:
.L_simem_size_0:
called_computation_lowered:
.L_overlay_start_0:
0x88: {  	s2 =	sld [smem:$0x3FD9]  }
0x89: {  	s3 =	sld [smem:$0x3FFE];
	_ =	sdelay $0x1  }
0x8a: {  	s1 =	srdreg.scid  }
0x8b: {  	s0 =	sand.u32 $0x1, s1  }
0x8c: {  	s17 =	sshll.u32 s0, $0xA;
	s2 =	sadd.s32 s3, s2  }
0x8d: {  	s2 =	sadd.s32 s2, s17  }
0x8e: {  	[smem:$0x3FC6] =	sst s2  }
0x8f: {  	_ = 	snop  }
0x90: {  	s2 =	sld [smem:$0x3FD0];
	(tm) =	ssettm $0x1  }
0x91: {  	s18 =	sld [smem:$0x3FFB];
	_ =	sdelay $0x3  }
0x92: {  	_ =	strace s18  }
0x93: {  	s3 =	sld [smem:$0x3FFC];
	_ =	sdelay $0x3  }
0x94: {  	_ =	strace s3  }
0x95: {  	s3 =	sld [smem:$0x3FFD];
	_ =	sdelay $0x3  }
0x96: {  	_ =	strace s3  }
0x97: {  	_ =	strace $0x8FFFFFFF  }
0x98: {  	s19 =	sld [smem:$0x3FDB];
	_ =	sdelay $0x1  }
0x99: {  	s4 =	simm.s32 $_scs_section_size  }
0x9a: {  	s5 =	simm.s32 $_size__tile_overlayer_lowered;
	s6 =	simm.s32 $_tile_overlayer_lowered  }
0x9b: {  	s22 =	simm.s32 $0x1BFF;
	s21 =	sshll.u32 s6, $0x1;
	s3 =	sadd.s32 s4, s19  }
0x9c: {  	s7 =	simm.s32 $0x0;
	s20 =	sshll.u32 s5, $0x1;
	s5 =	sadd.s32 s21, s3  }
0x9d: {  	[timem:s7], [sflag:s22] =	dma.local [hbm:s5], s20  }
0x9e: {  	_ =	swait.ge [sflag:s22], s20  }
0x9f: {  	s4 =	ssub.s32 $0x0, s20;
	[sflag:s22] =	ssyncset.done $0x0  }
0xa0: {  	[sflag:s22] =	ssyncadd.s32 s4;
	_ =	sdelay $0x1  }
0xa1: {  	s23 =	simm.s32 $0x1B8B  }
0xa2: {  	_ =	swait.ge [sflag:s23], $0x1  }
0xa3: {  	[sflag:s23] =	ssyncset.done $0x0  }
0xa4: {  	s25 =	simm.s32 $0x1B8E;
	s24 =	sld [smem:$0x3FFE];
	[sflag:s23] =	ssyncadd.s32 $0xFFFFFFFF  }
0xa5: {  	s26 =	simm.s32 $execute0_lowered;
	[smem:$0x3FD2] =	sst s25  }
0xa6: {  	s5 =	sshll.u32 s26, $0x1;
	_ =	strace $0x80000046;
	[dreg:$0x1] =	wrdreg $0xFFFFFFFF  }
0xa7: {  	s28 =	simm.s32 $_size_execute0_lowered;
	s3 =	sadd.s32 s3, s5;
	[dreg:$0x0] =	wrdreg $0x0  }
0xa8: {  	s5 =	sshll.u32 s28, $0x1;
	[dreg:$0x2] =	wrdreg s3  }
0xa9: {  	[dreg:$0x3] =	wrdreg s5  }
0xaa: {  	[dreg:$0x4] =	wrdreg $0xC0  }
0xab: {  	_ =	task [dreg:s7], $0x5FFFF  }
0xac: {  	[dreg:$0x1] =	wrdreg $0xFFFFFFFF  }
0xad: {  	[dreg:$0x0] =	wrdreg $0x60  }
0xae: {  	[dreg:$0x2] =	wrdreg s24  }
0xaf: {  	[dreg:$0x3] =	wrdreg s2  }
0xb0: {  	[dreg:$0x4] =	wrdreg $0x9  }
0xb1: {  	_ =	task.clear_ibuf [dreg:s7], $0x5FFFF;
	_ =	strace $0x90000046  }
0xb2: {  	s29 =	simm.s32 $0x9;
	_ =	strace $0x80000048  }
0xb3: {  	_ =	swait.ge [sflag:s29], $0x1  }
0xb4: {  	[sflag:s29] =	ssyncadd.s32 $0xFFFFFFFF  }
0xb5: {  	_ =	strace $0x90000048  }
0xb6: {  	_ =	sfence  }
0xb7: {  	s30 =	sld [smem:$0x0];
	_ =	sdelay $0x2  }
0xb8: {  	s31 =	sshll.u32 s1, $0xD;
	s1 =	sshrl.u32 s1, $0x2  }
0xb9: {  	s3 =	sand.u32 $0x4000, s31;
	s1 =	sadd.s32 s1, s30  }
0xba: {  	s0 =	sor.u32 s3, s0;
	s1 =	sshll.u32 s1, $0x11  }
0xbb: {  	s0 =	sor.u32 s1, s0  }
0xbc: {  	s0 =	sadd.s32 $0x8F2B, s0  }
0xbd: {  	[sflag:s0] =	ssyncadd.remote.s32 $0x1  }
0xbe: {  	_ =	sfence.sel $0xFFFF  }
0xbf: {  	[dreg:$0x0] =	wrdreg $0xFFFFFFFF;
	(pc) =	sbr.abs _section_cstart, $3  }
0xc0: {  	[dreg:$0x1] =	wrdreg $0xFFFFFFFF  }
0xc1: {  	_ =	task.clear_ibuf [dreg:s7], $0x2FFFF;
	_ =	strace $0x9FFFFFFF  }
0xc2: {  	(tm) =	ssettm $0x7FFFFFFF  }
0xc3: {  	_ =	shalt  }
tec
execute0_lowered:
.L_overlay_start_1:
0x0: {  	(tag) =	ssettag $0x1  }
0x1: {  	s0 =	srdreg.scid  }
0x2: {  	s9 =	sand.u32 $0x1, s0;
	s0 =	stileid.u32  }
0x3: {  	s1 =	sor.u32 s9, s0  }
0x4: {  	p1 =	seq.s32 s9, $0x1;
	p0 =	seq.s32 s1, $0x0  }
0x5: {  	p0 =	por !p0, !p1  }
0x6: {  	s4 =	simm.s32 $0x1;
	p0 =	por !p0, !p0  }
0x7: {  	s4 =	simm.s32 @!p0 $0x0  }
0x8: {  	s10 =	ssub.s32 s0, s4  }
0x9: {  	p0 =	sgt.s32 s10, $0xD  }
.Ltmp0:
0xa: {  	_ = 	snop;
	(pc) =	sbr.rel @p0 .LBB2_13-.Ltmp0, $4  }
0xb: {  	s5 =	rddreg [dreg:$0x0]  }
0xc: {  	s2 =	rddreg [dreg:$0x1];
	s3 =	simm.s32 $0x0  }
0xd: {  	[smem:$0x7FF] =	sst s3  }
0xe: {  	s1 =	rddreg [dreg:$0x2];
	_ =	strace $0x80000047;
	s4 =	simm.s32 $0x1  }
0xf: {  	s13 =	sadd.s32 $0x400, s5;
	s7 =	sshll.u32 s9, $0xA  }
0x10: {  	s5 =	sadd.s32 $0x2B000, s5;
	s6 =	sshll.u32 s9, $0xD;
	s14 =	smul.u32 $0x186A0, s10  }
0x11: {  	s12 =	ssub.s32 $0x2, s9;
	s10 =	smul.u32 $0x320000, s10;
	s16 =	simm.s32 $0x186A0  }
0x12: {  	s17 =	simm.s32 $0x196A0;
	s18 =	simm.s32 $0x1A6A0;
	s19 =	simm.s32 $0x2  }
0x13: {  	s20 =	simm.s32 $0x4;
	s21 =	simm.s32 $0x1B6A0;
	s22 =	simm.s32 $0x3  }
0x14: {  	s23 =	simm.s32 $0x0;
	s7 =	sadd.s32 s2, s7;
	s9 =	sor.u32 $0x4000, s6  }
0x15: {  	s15 =	sshrl.u32 s12, $0x1;
	s11 =	sor.u32 $0x1000, s6;
	s8 =	sadd.s32 $0x200, s7  }
0x16: {  	s15 =	ssub.s32 s12, s15;
	s14 =	sshrl.u32 s14, $0x3;
	s12 =	sor.u32 $0x5000, s6  }
0x17: {  	s13 =	sadd.s32 s13, s14;
	s14 =	smax.u32 s15, $0x1;
	s15 =	simm.s32 $0x5  }
.LBB2_2:
0x18: {  	s24 =	simm.s32 $0x0  }
0x19: {  	[tilespmem:s24], [sflag:$0x5] =	stream.linear.gather [hbm4b:s13+s24], $0x186A0, $0x38;
	[tilespmem:$0x1C6A0] =	vst v63  }
0x1a: {  	_ =	swait.ge [sflag:s15], $0x186A0  }
0x1b: {  	[sflag:s15] =	ssyncset.done $0x0  }
0x1c: {  	[sflag:s15] =	ssyncadd.s32 $0xFFFE7960  }
0x1d: {  	[tilespmem:s16], [sflag:$0x1] =	stream.linear.gather [hbm4b:s7+s24], $0x1000, $0x38;
	[tilespmem:$0x1C6A0] =	vst v63  }
0x1e: {  	_ = 	snop  }
0x1f: {  	[tilespmem:s17], [sflag:$0x2] =	stream.linear.gather [hbm4b:s8+s24], $0x1000, $0x38;
	[tilespmem:$0x1C6A0] =	vst v63  }
.LBB2_3:
0x20: {  	_ =	swait.ge [sflag:s4], $0x1000  }
0x21: {  	p0 =	seq.s32 s24, $0x0;
	[sflag:s4] =	ssyncset.done $0x0  }
0x22: {  	s25 =	simm.s32 @!p0 $0x3;
	[sflag:s4] =	ssyncadd.s32 $0xFFFFF000  }
0x23: {  	_ =	swait.ge @!p0 [sflag:s25], $0x1000  }
0x24: {  	[sflag:s25] =	ssyncset.done @!p0 $0x0  }
0x25: {  	s31 =	simm.s32 $0x186E0;
	[sflag:s25] =	ssyncadd.s32 @!p0 $0xFFFFF000  }
0x26: {  	v0 =	vld [tilespmem:s31+$0x30]  }
0x27: {  	v1 =	vld [tilespmem:s31+$0xFFFFFFD0]  }
0x28: {  	v2 =	vld [tilespmem:s31+$0xFFFFFFE0]  }
0x29: {  	v3 =	vld [tilespmem:s31+$0xFFFFFFF0]  }
0x2a: {  	v6 =	vld [tilespmem:s31+$0x0]  }
0x2b: {  	v7 =	vld [tilespmem:s31+$0x10]  }
0x2c: {  	v8 =	vld [tilespmem:s31+$0x20]  }
0x2d: {  	v9 =	vld [tilespmem:s31+$0xFFFFFFC0]  }
0x2e: {  	v10 =	vld.idx.msk [tilespmem:v0+s3+$0x0], $0xffff  }
0x2f: {  	v11 =	vld.idx.msk [tilespmem:v1+s3+$0x0], $0xffff  }
0x30: {  	v5 =	vld.idx.msk [tilespmem:v2+s3+$0x0], $0xffff  }
0x31: {  	v4 =	vld.idx.msk [tilespmem:v3+s3+$0x0], $0xffff  }
0x32: {  	v3 =	vld.idx.msk [tilespmem:v6+s3+$0x0], $0xffff  }
0x33: {  	s28 =	simm.s32 $0x1A6E0;
	v1 =	vld.idx.msk [tilespmem:v7+s3+$0x0], $0xffff  }
0x34: {  	v0 =	vld.idx.msk [tilespmem:v8+s3+$0x0], $0xffff;
	[tilespmem:s28+$0x30] =	vst v10  }
0x35: {  	s26 =	simm.s32 $0x18760;
	s25 =	simm.s32 $0x0;
	v2 =	vld.idx.msk [tilespmem:v9+s3+$0x0], $0xffff;
	[tilespmem:s28+$0xFFFFFFD0] =	vst v11  }
.LBB2_4:
0x36: {  	v6 =	vld [tilespmem:s26+$0x30];
	s25 =	sadd.s32 $0x80, s25;
	[tilespmem:s28+$0xFFFFFFE0] =	vst v5  }
0x37: {  	v5 =	vld [tilespmem:s26+$0xFFFFFFD0];
	p1 =	slt.u32 s25, $0xF80;
	[tilespmem:s28+$0xFFFFFFF0] =	vst v4  }
0x38: {  	v4 =	vld [tilespmem:s26+$0xFFFFFFE0];
	[tilespmem:s28+$0x0] =	vst v3  }
0x39: {  	v3 =	vld [tilespmem:s26+$0xFFFFFFF0];
	[tilespmem:s28+$0x10] =	vst v1  }
0x3a: {  	v1 =	vld [tilespmem:s26+$0x0];
	[tilespmem:s28+$0x20] =	vst v0  }
0x3b: {  	v0 =	vld [tilespmem:s26+$0x10];
	[tilespmem:s28+$0xFFFFFFC0] =	vst v2  }
0x3c: {  	v2 =	vld [tilespmem:s26+$0x20]  }
0x3d: {  	v7 =	vld [tilespmem:s26+$0xFFFFFFC0]  }
0x3e: {  	v6 =	vld.idx.msk [tilespmem:v6+s3+$0x0], $0xffff  }
0x3f: {  	v8 =	vld.idx.msk [tilespmem:v5+s3+$0x0], $0xffff  }
0x40: {  	v5 =	vld.idx.msk [tilespmem:v4+s3+$0x0], $0xffff  }
.Ltmp1:
0x41: {  	v4 =	vld.idx.msk [tilespmem:v3+s3+$0x0], $0xffff;
	(pc) =	sbr.rel @p1 .LBB2_4-.Ltmp1, $4  }
0x42: {  	v3 =	vld.idx.msk [tilespmem:v1+s3+$0x0], $0xffff  }
0x43: {  	s28 =	sadd.s32 $0x80, s28;
	v1 =	vld.idx.msk [tilespmem:v0+s3+$0x0], $0xffff  }
0x44: {  	v0 =	vld.idx.msk [tilespmem:v2+s3+$0x0], $0xffff;
	[tilespmem:s28+$0x30] =	vst v6  }
0x45: {  	s26 =	sadd.s32 $0x80, s26;
	v2 =	vld.idx.msk [tilespmem:v7+s3+$0x0], $0xffff;
	[tilespmem:s28+$0xFFFFFFD0] =	vst v8  }
0x46: {  	[tilespmem:s28+$0xFFFFFFE0] =	vst v5  }
0x47: {  	[tilespmem:s28+$0xFFFFFFF0] =	vst v4;
	s25 =	sshll.u32 s24, $0xE;
	p1 =	sne.s32 s24, $0xC7  }
.Ltmp2:
0x48: {  	[tilespmem:s28+$0x0] =	vst v3;
	s26 =	sadd.s32 s10, s25;
	(pc) =	sbr.rel @p1 .LBB2_7-.Ltmp2, $4  }
0x49: {  	[tilespmem:s28+$0x10] =	vst v1;
	s29 =	sor.u32 s6, s26  }
0x4a: {  	[tilespmem:s28+$0x20] =	vst v0;
	s29 =	sshrl.u32 s29, $0x3  }
0x4b: {  	[tilespmem:s28+$0xFFFFFFC0] =	vst v2;
	s31 =	sadd.s32 s5, s29  }
0x4c: {  	[hbm4b:s31+s3] =	stream.linear.scatter [tilespmem:s18], [sflag:$0x3], $0x1000, $0x38;
	[tilespmem:$0x1C6A0] =	vst v63  }
.Ltmp3:
0x4d: {  	(pc) =	sbr.rel .LBB2_8-.Ltmp3, $4  }
0x4e: {  	_ = 	snop  }
0x4f: {  	_ =	swait.ge [sflag:s19], $0x1000  }
0x50: {  	[sflag:s19] =	ssyncset.done $0x0  }
0x51: {  	[sflag:s19] =	ssyncadd.s32 $0xFFFFF000  }
.LBB2_7:
0x52: {  	s28 =	sadd.s32 s9, s25  }
0x53: {  	s28 =	sshrl.u32 s28, $0x3  }
.Ltmp4:
0x54: {  	s28 =	sadd.s32 s2, s28;
	(pc) =	sbr.rel @p0 .LBB2_9-.Ltmp4, $4  }
0x55: {  	[tilespmem:s16], [sflag:$0x1] =	stream.linear.gather [hbm4b:s28+s3], $0x1000, $0x38;
	[tilespmem:$0x1C6A0] =	vst v63  }
0x56: {  	_ =	swait.ge [sflag:s19], $0x1000  }
0x57: {  	[sflag:s19] =	ssyncset.done $0x0  }
0x58: {  	[sflag:s19] =	ssyncadd.s32 $0xFFFFF000  }
.LBB2_8:
0x59: {  	_ =	swait.ge [sflag:s20], $0x1000  }
0x5a: {  	[sflag:s20] =	ssyncset.done $0x0  }
0x5b: {  	[sflag:s20] =	ssyncadd.s32 $0xFFFFF000  }
.LBB2_9:
0x5c: {  	s28 =	simm.s32 $0x196E0  }
0x5d: {  	v0 =	vld [tilespmem:s28+$0x30]  }
0x5e: {  	v1 =	vld [tilespmem:s28+$0xFFFFFFD0]  }
0x5f: {  	v2 =	vld [tilespmem:s28+$0xFFFFFFE0]  }
0x60: {  	v3 =	vld [tilespmem:s28+$0xFFFFFFF0]  }
0x61: {  	v4 =	vld [tilespmem:s28+$0x0]  }
0x62: {  	v6 =	vld [tilespmem:s28+$0x10]  }
0x63: {  	v7 =	vld [tilespmem:s28+$0x20]  }
0x64: {  	v8 =	vld [tilespmem:s28+$0xFFFFFFC0]  }
0x65: {  	v9 =	vld.idx.msk [tilespmem:v0+s3+$0x0], $0xffff  }
0x66: {  	v10 =	vld.idx.msk [tilespmem:v1+s3+$0x0], $0xffff  }
0x67: {  	v5 =	vld.idx.msk [tilespmem:v2+s3+$0x0], $0xffff  }
0x68: {  	v3 =	vld.idx.msk [tilespmem:v3+s3+$0x0], $0xffff  }
0x69: {  	v1 =	vld.idx.msk [tilespmem:v4+s3+$0x0], $0xffff  }
0x6a: {  	s29 =	simm.s32 $0x1B6E0;
	v2 =	vld.idx.msk [tilespmem:v6+s3+$0x0], $0xffff  }
0x6b: {  	v0 =	vld.idx.msk [tilespmem:v7+s3+$0x0], $0xffff;
	[tilespmem:s29+$0x30] =	vst v9  }
0x6c: {  	s30 =	simm.s32 $0x0;
	s31 =	simm.s32 $0x19760;
	s28 =	sadd.s32 $0x1, s24;
	v4 =	vld.idx.msk [tilespmem:v8+s3+$0x0], $0xffff;
	[tilespmem:s29+$0xFFFFFFD0] =	vst v10  }
.LBB2_10:
0x6d: {  	v6 =	vld [tilespmem:s31+$0x30];
	s30 =	sadd.s32 $0x80, s30;
	[tilespmem:s29+$0xFFFFFFE0] =	vst v5  }
0x6e: {  	v5 =	vld [tilespmem:s31+$0xFFFFFFD0];
	p0 =	slt.u32 s30, $0xF80;
	[tilespmem:s29+$0xFFFFFFF0] =	vst v3  }
0x6f: {  	v3 =	vld [tilespmem:s31+$0xFFFFFFE0];
	[tilespmem:s29+$0x0] =	vst v1  }
0x70: {  	v1 =	vld [tilespmem:s31+$0xFFFFFFF0];
	[tilespmem:s29+$0x10] =	vst v2  }
0x71: {  	v2 =	vld [tilespmem:s31+$0x0];
	[tilespmem:s29+$0x20] =	vst v0  }
0x72: {  	v0 =	vld [tilespmem:s31+$0x10];
	[tilespmem:s29+$0xFFFFFFC0] =	vst v4  }
0x73: {  	v4 =	vld [tilespmem:s31+$0x20]  }
0x74: {  	v7 =	vld [tilespmem:s31+$0xFFFFFFC0]  }
0x75: {  	v6 =	vld.idx.msk [tilespmem:v6+s3+$0x0], $0xffff  }
0x76: {  	v8 =	vld.idx.msk [tilespmem:v5+s3+$0x0], $0xffff  }
0x77: {  	v5 =	vld.idx.msk [tilespmem:v3+s3+$0x0], $0xffff  }
.Ltmp5:
0x78: {  	v3 =	vld.idx.msk [tilespmem:v1+s3+$0x0], $0xffff;
	(pc) =	sbr.rel @p0 .LBB2_10-.Ltmp5, $4  }
0x79: {  	v1 =	vld.idx.msk [tilespmem:v2+s3+$0x0], $0xffff  }
0x7a: {  	s29 =	sadd.s32 $0x80, s29;
	v2 =	vld.idx.msk [tilespmem:v0+s3+$0x0], $0xffff  }
0x7b: {  	v0 =	vld.idx.msk [tilespmem:v4+s3+$0x0], $0xffff;
	[tilespmem:s29+$0x30] =	vst v6  }
0x7c: {  	s31 =	sadd.s32 $0x80, s31;
	v4 =	vld.idx.msk [tilespmem:v7+s3+$0x0], $0xffff;
	[tilespmem:s29+$0xFFFFFFD0] =	vst v8  }
0x7d: {  	[tilespmem:s29+$0xFFFFFFE0] =	vst v5  }
0x7e: {  	[tilespmem:s29+$0xFFFFFFF0] =	vst v3  }
0x7f: {  	[tilespmem:s29+$0x0] =	vst v1  }
0x80: {  	s26 =	sor.u32 s11, s26;
	p0 =	seq.s32 s24, $0xC7;
	[tilespmem:s29+$0x10] =	vst v2  }
0x81: {  	s26 =	sshrl.u32 s26, $0x3;
	s24 =	sadd.s32 @!p0 s12, s25;
	[tilespmem:s29+$0x20] =	vst v0  }
0x82: {  	s25 =	simm.s32 @!p0 $0x0;
	s31 =	sadd.s32 s5, s26;
	s24 =	sshrl.u32 @!p0 s24, $0x3;
	[tilespmem:s29+$0xFFFFFFC0] =	vst v4  }
0x83: {  	[hbm4b:s31+s3] =	stream.linear.scatter [tilespmem:s21], [sflag:$0x4], $0x1000, $0x38;
	[tilespmem:$0x1C6A0] =	vst v63  }
0x84: {  	p1 =	sne.s32 @!p0 s28, $0xC8;
	s26 =	simm.s32 @!p0 $0x196A0;
	s24 =	sadd.s32 @!p0 s2, s24  }
0x85: {  	[tilespmem:s26], [sflag:$0x2] =	stream.linear.gather @!p0 [hbm4b:s24+s25], $0x1000, $0x38;
	[tilespmem:$0x1C6A0] =	vst v63  }
0x86: {  	p0 =	por p0, !p1  }
.Ltmp6:
0x87: {  	_ = 	snop;
	(pc) =	sbr.rel @!p0 .LBB2_3-.Ltmp6, $2  }
0x88: {  	_ =	sdelay $0x2  }
0x89: {  	s24 =	smov.u32 s28  }
0x8a: {  	s23 =	sadd.s32 $0x1, s23  }
0x8b: {  	_ =	swait.ge [sflag:s22], $0x1000;
	p0 =	sne.s32 s23, s14  }
.Ltmp7:
0x8c: {  	[sflag:s22] =	ssyncset.done $0x0;
	(pc) =	sbr.rel @p0 .LBB2_2-.Ltmp7, $4  }
0x8d: {  	[sflag:s22] =	ssyncadd.s32 $0xFFFFF000  }
0x8e: {  	_ =	swait.ge [sflag:s20], $0x1000  }
0x8f: {  	[sflag:s20] =	ssyncset.done $0x0  }
0x90: {  	[sflag:s20] =	ssyncadd.s32 $0xFFFFF000  }
.LBB2_13:
0x91: {  	_ =	sfence.sel $0x180000  }
0x92: {  	[bflag:$0x0] =	sbarrier.arrive $0xFFFF  }
0x93: {  	p0 =	sne.s32 s0, $0x0;
	_ =	strace $0x90000047  }
0x94: {  	s0 =	sadd.s32 @!p0 $0x100000, s1;
	[bflag:$0x2] =	sbarrier.arrive $0xFFFF  }
0x95: {  	[sflag:s0] =	ssyncadd.tile.s32 @!p0 $0x1;
	_ =	shalt  }
.Lfunc_end2:
_tile_overlayer_lowered:
.L_overlay_start_2:
0x96: {  	(tag) =	ssettag $0x2  }
0x97: {  	s0 =	rddreg [dreg:$0x0];
	s2 =	stileid.u32  }
0x98: {  	s1 =	rddreg [dreg:$0x1];
	p0 =	sne.s32 s2, $0x0  }
0x99: {  	s3 =	rddreg [dreg:$0x2];
	[bflag:$0x3] =	sbarrier.arrive $0xFFFF;
	s2 =	simm.s32 @!p0 $0x1C05  }
0x9a: {  	[timem:s3], [sflag:s2] =	dma.local @!p0 [hbm:s0], s1  }
0x9b: {  	s0 =	simm.s32 @!p0 $0x5  }
0x9c: {  	_ =	swait.ge @!p0 [sflag:s0], s1  }
0x9d: {  	s1 =	ssub.s32 @!p0 $0x0, s1;
	[sflag:s0] =	ssyncset.done @!p0 $0x0  }
0x9e: {  	[sflag:s0] =	ssyncadd.s32 @!p0 s1  }
0x9f: {  	[bflag:$0x3] =	sbarrier.arrive $0xFFFF  }
0xa0: {  	_ =	shalt  }

</sc_bundles>
